<compile_context>
chip_gen: v7x
topology: tpu7x:2x2x1
jax: 0.10.2.dev20260603
libtpu: 0.0.44.dev20260713+nightly
codegen_flags: <defaults>
</compile_context>

<pallas_src>
import functools

import jax
import jax.numpy as jnp
from jax import lax
from jax.experimental import pallas as pl
from jax.experimental.pallas import tpu as pltpu
from jax.experimental.pallas import tpu_sc as plsc

B = 16384
L = 50
DIM = 64
TOTAL = B * L
NW = 32
PER_W = TOTAL // NW
CHUNK = 128
NCHUNK = PER_W // CHUNK
NBUF = 2
NOUTER = NCHUNK // NBUF

_mesh = plsc.VectorSubcoreMesh(core_axis_name="c", subcore_axis_name="s")


@functools.partial(
    pl.kernel,
    mesh=_mesh,
    out_type=jax.ShapeDtypeStruct((TOTAL, DIM), jnp.float32),
    scratch_types=[
        pltpu.VMEM((NCHUNK, CHUNK), jnp.int32),
        pltpu.VMEM((NBUF, CHUNK, 128), jnp.float32),
        pltpu.SemaphoreType.DMA((NBUF,)),
        pltpu.SemaphoreType.DMA((NBUF,)),
    ],
    compiler_params=pltpu.CompilerParams(use_tc_tiling_on_sc=False),
)
def _sc_gather(idx_hbm, table_hbm, out_hbm, idx_v, rows_v, gsem, wsem):
    wid = lax.axis_index("s") * 2 + lax.axis_index("c")
    base = wid * PER_W

    pltpu.sync_copy(idx_hbm.at[pl.ds(wid * NCHUNK, NCHUNK)], idx_v)

    def start_gather(chunk, slot):
        pltpu.async_copy(table_hbm.at[idx_v.at[chunk]], rows_v.at[slot],
                         gsem.at[slot])

    def wait_gather(slot):
        pltpu.make_async_copy(table_hbm.at[idx_v.at[0]], rows_v.at[slot],
                              gsem.at[slot]).wait()

    def start_write(chunk, slot):
        pltpu.async_copy(rows_v.at[slot, :, pl.ds(0, DIM)],
                         out_hbm.at[pl.ds(base + chunk * CHUNK, CHUNK)],
                         wsem.at[slot])

    def wait_write(slot):
        pltpu.make_async_copy(rows_v.at[slot, :, pl.ds(0, DIM)],
                              out_hbm.at[pl.ds(base, CHUNK)],
                              wsem.at[slot]).wait()

    start_gather(0, 0)
    wait_gather(0)
    start_write(0, 0)
    wait_write(0)


def _repack_body(t_ref, o_ref):
    x = t_ref[...].reshape(5000, 2, 64)
    o_ref[:, 0:64] = x[:, 0, :]
    o_ref[:, 64:128] = x[:, 1, :]


_repack_call = pl.pallas_call(
    _repack_body,
    out_shape=jax.ShapeDtypeStruct((500000, 128), jnp.float32),
    grid=(100,),
    in_specs=[pl.BlockSpec((10000, 64), lambda i: (i, 0))],
    out_specs=pl.BlockSpec((5000, 128), lambda i: (i, 0)),
)


def _mask_body(idx_ref, mask_ref):
    mask_ref[...] = idx_ref[...] != 0


_mask_call = pl.pallas_call(
    _mask_body,
    out_shape=jax.ShapeDtypeStruct((B, L), jnp.bool_),
    grid=(8,),
    in_specs=[pl.BlockSpec((B // 8, L), lambda i: (i, 0))],
    out_specs=pl.BlockSpec((B // 8, L), lambda i: (i, 0)),
)


def kernel(indices, table):
    idx = indices.astype(jnp.int32)
    idx2d = idx.reshape(NW * NCHUNK, CHUNK)
    emb_flat = _sc_gather(idx2d, _repack_call(table))
    emb = emb_flat.reshape(B, L, DIM)
    mask = _mask_call(idx)
    return emb, mask

# --- scband reference (transcript-rebuilt; emitter-appended) ---
"""Pipeline reference for scband-embedding-table-13675175870609 (READ-ONLY COPY).

The authoritative reference and input builder live on the scoring server;
editing this copy changes nothing except your own understanding.
"""

import jax, jax.numpy as jnp
import numpy as np

B = 16384
L = 50
VOCAB = 1000000
DIM = 64

def setup_inputs(seed: int = 0) -> dict:
    key = jax.random.key(seed)
    k1, k2 = jax.random.split(key)
    # indices into the unified feature table; 0 is the padding index
    indices = jax.random.randint(k1, (B, L), 0, VOCAB, dtype=jnp.int64)
    # embedding table; padding_idx=0 row is zero, matching nn.Embedding(padding_idx=0)
    table = jax.random.normal(k2, (VOCAB, DIM), dtype=jnp.float32)
    table = table.at[0].set(0.0)
    return {"indices": indices, "table": table}

def reference(indices, table):
    # nn.Embedding lookup with padding_idx=0: row 0 maps to zeros.
    mask = jnp.not_equal(indices, 0)
    emb = jnp.take(table, indices, axis=0)
    emb = emb * mask[..., None].astype(emb.dtype)
    return emb, mask

if __name__ == "__main__":
    import jax
    _d = setup_inputs()
    print(jax.jit(kernel)(*tuple(_d.values())))

</pallas_src>

<mosaic_0001>
#map = affine_map<(d0, d1) -> (0, 0)>
module attributes {stable_mosaic.version = 14 : i64} {
  func.func @_sc_gather(%arg0: i32, %arg1: i32, %arg2: memref<6400x128xi32, #tpu.memory_space<hbm>>, %arg3: memref<500000x128xf32, #tpu.memory_space<hbm>>, %arg4: memref<819200x64xf32, #tpu.memory_space<hbm>>, %arg5: memref<200x128xi32, #tpu.memory_space<vmem>>, %arg6: memref<2x128x128xf32, #tpu.memory_space<vmem>>, %arg7: memref<2x!tpu.dma_semaphore, #tpu.memory_space<semaphore_mem>>, %arg8: memref<2x!tpu.dma_semaphore, #tpu.memory_space<semaphore_mem>>) attributes {dimension_semantics = [#tpu.dimension_semantics<core_parallel>, #tpu.dimension_semantics<subcore_parallel>], iteration_bounds = array<i64: 2, 16>, scalar_prefetch = 0 : i64, scratch_operands = 4 : i64, tpu.core_type = #tpu.core_type<sc_vector_subcore>, window_params = [{transform_indices = #map}, {transform_indices = #map}, {transform_indices = #map}]} {
    %mul3A = arith.constant 2 : i32
    %mul3A_0 = arith.muli %arg1, %mul3A : i32
    %add3A = arith.addi %mul3A_0, %arg0 : i32
    %mul3A_1 = arith.constant 25600 : i32
    %mul3A_2 = arith.muli %add3A, %mul3A_1 : i32
    %mul3A_3 = arith.constant 200 : i32
    %mul3A_4 = arith.muli %add3A, %mul3A_3 : i32
    "tpu.region"() ({
      %run_scoped3A = tpu.sem_alloc : memref<!tpu.dma_semaphore, #tpu.memory_space<semaphore_mem>>
      %dma_start3A_67 = arith.constant 0 : i32
      %dma_start3A_68 = tpu.memref_slice %arg2[%mul3A_4, %dma_start3A_67] : memref<6400x128xi32, #tpu.memory_space<hbm>> -> memref<200x128xi32, #tpu.memory_space<hbm>>
      %dma_start3A_69 = arith.constant 0 : i32
      %dma_start3A_70 = tpu.memref_slice %arg2[%mul3A_4, %dma_start3A_69] : memref<6400x128xi32, #tpu.memory_space<hbm>> -> memref<200x128xi32, #tpu.memory_space<hbm>>
      tpu.enqueue_dma source(%dma_start3A_70 : memref<200x128xi32, #tpu.memory_space<hbm>>) target(%arg5 : memref<200x128xi32, #tpu.memory_space<vmem>>) target_semaphore(%run_scoped3A : memref<!tpu.dma_semaphore, #tpu.memory_space<semaphore_mem>>)
      %dma_wait3A_71 = arith.constant 0 : i32
      %dma_wait3A_72 = tpu.memref_slice %arg2[%mul3A_4, %dma_wait3A_71] : memref<6400x128xi32, #tpu.memory_space<hbm>> -> memref<200x128xi32, #tpu.memory_space<hbm>>
      %dma_wait3A_73 = arith.constant 0 : i32
      %dma_wait3A_74 = tpu.memref_slice %arg2[%mul3A_4, %dma_wait3A_73] : memref<6400x128xi32, #tpu.memory_space<hbm>> -> memref<200x128xi32, #tpu.memory_space<hbm>>
      tpu.wait_dma2 semaphore(%run_scoped3A : memref<!tpu.dma_semaphore, #tpu.memory_space<semaphore_mem>>) src(%dma_wait3A_74 : memref<200x128xi32, #tpu.memory_space<hbm>>) dst(%arg5 : memref<200x128xi32, #tpu.memory_space<vmem>>)
      tpu.yield
    }) : () -> ()
    %dma_start3A = arith.constant 0 : i32
    %dma_start3A_5 = arith.constant 0 : i32
    %dma_start3A_6 = arith.constant 0 : i32
    %dma_start3A_7 = arith.constant 0 : i32
    %dma_start3A_8 = arith.constant 0 : i32
    %dma_start3A_9 = tpu.memref_slice %arg6[%dma_start3A_5, %dma_start3A_7, %dma_start3A_8] : memref<2x128x128xf32, #tpu.memory_space<vmem>> -> memref<1x128x128xf32, #tpu.memory_space<vmem>>
    %dma_start3A_10 = tpu.memref_squeeze %dma_start3A_9 : memref<1x128x128xf32, #tpu.memory_space<vmem>> -> memref<128x128xf32, #tpu.memory_space<vmem>>
    %dma_start3A_11 = arith.constant 0 : i32
    %dma_start3A_12 = tpu.memref_slice %arg5[%dma_start3A, %dma_start3A_11] : memref<200x128xi32, #tpu.memory_space<vmem>> -> memref<1x128xi32, #tpu.memory_space<vmem>>
    %dma_start3A_13 = tpu.memref_squeeze %dma_start3A_12 : memref<1x128xi32, #tpu.memory_space<vmem>> -> memref<128xi32, #tpu.memory_space<vmem>>
    %dma_start3A_14 = arith.constant 0 : i32
    %dma_start3A_15 = arith.constant 0 : i32
    %dma_start3A_16 = tpu.memref_slice %arg3[%dma_start3A_14, %dma_start3A_15] : memref<500000x128xf32, #tpu.memory_space<hbm>> -> memref<500000x128xf32, #tpu.memory_space<hbm>>
    %dma_start3A_17 = tpu.memref_slice %arg7[%dma_start3A_6] : memref<2x!tpu.dma_semaphore, #tpu.memory_space<semaphore_mem>> -> memref<1x!tpu.dma_semaphore, #tpu.memory_space<semaphore_mem>>
    %dma_start3A_18 = tpu.memref_squeeze %dma_start3A_17 : memref<1x!tpu.dma_semaphore, #tpu.memory_space<semaphore_mem>> -> memref<!tpu.dma_semaphore, #tpu.memory_space<semaphore_mem>>
    tpu.enqueue_indirect_dma source(%dma_start3A_16 : memref<500000x128xf32, #tpu.memory_space<hbm>>) target(%dma_start3A_10 : memref<128x128xf32, #tpu.memory_space<vmem>>) offsets(%dma_start3A_13 : memref<128xi32, #tpu.memory_space<vmem>>) semaphore(%dma_start3A_18 : memref<!tpu.dma_semaphore, #tpu.memory_space<semaphore_mem>>)
    %dma_wait3A = arith.constant 0 : i32
    %dma_wait3A_19 = arith.constant 0 : i32
    %dma_wait3A_20 = arith.constant 0 : i32
    %dma_wait3A_21 = arith.constant 0 : i32
    %dma_wait3A_22 = arith.constant 0 : i32
    %dma_wait3A_23 = tpu.memref_slice %arg6[%dma_wait3A_19, %dma_wait3A_21, %dma_wait3A_22] : memref<2x128x128xf32, #tpu.memory_space<vmem>> -> memref<1x128x128xf32, #tpu.memory_space<vmem>>
    %dma_wait3A_24 = tpu.memref_squeeze %dma_wait3A_23 : memref<1x128x128xf32, #tpu.memory_space<vmem>> -> memref<128x128xf32, #tpu.memory_space<vmem>>
    %dma_wait3A_25 = arith.constant 0 : i32
    %dma_wait3A_26 = tpu.memref_slice %arg5[%dma_wait3A, %dma_wait3A_25] : memref<200x128xi32, #tpu.memory_space<vmem>> -> memref<1x128xi32, #tpu.memory_space<vmem>>
    %dma_wait3A_27 = tpu.memref_squeeze %dma_wait3A_26 : memref<1x128xi32, #tpu.memory_space<vmem>> -> memref<128xi32, #tpu.memory_space<vmem>>
    %dma_wait3A_28 = arith.constant 0 : i32
    %dma_wait3A_29 = arith.constant 0 : i32
    %dma_wait3A_30 = tpu.memref_slice %arg3[%dma_wait3A_28, %dma_wait3A_29] : memref<500000x128xf32, #tpu.memory_space<hbm>> -> memref<500000x128xf32, #tpu.memory_space<hbm>>
    %dma_wait3A_31 = tpu.memref_slice %arg7[%dma_wait3A_20] : memref<2x!tpu.dma_semaphore, #tpu.memory_space<semaphore_mem>> -> memref<1x!tpu.dma_semaphore, #tpu.memory_space<semaphore_mem>>
    %dma_wait3A_32 = tpu.memref_squeeze %dma_wait3A_31 : memref<1x!tpu.dma_semaphore, #tpu.memory_space<semaphore_mem>> -> memref<!tpu.dma_semaphore, #tpu.memory_space<semaphore_mem>>
    tpu.wait_indirect_dma semaphore(%dma_wait3A_32 : memref<!tpu.dma_semaphore, #tpu.memory_space<semaphore_mem>>) src(%dma_wait3A_30 : memref<500000x128xf32, #tpu.memory_space<hbm>>) dst(%dma_wait3A_24 : memref<128x128xf32, #tpu.memory_space<vmem>>)
    %add3A_33 = arith.constant 0 : i32
    %add3A_34 = arith.addi %mul3A_2, %add3A_33 : i32
    %dma_start3A_35 = arith.constant 0 : i32
    %dma_start3A_36 = arith.constant 0 : i32
    %dma_start3A_37 = arith.constant 0 : i32
    %dma_start3A_38 = arith.constant 0 : i32
    %dma_start3A_39 = tpu.memref_slice %arg6[%dma_start3A_35, %dma_start3A_37, %dma_start3A_38] : memref<2x128x128xf32, #tpu.memory_space<vmem>> -> memref<1x128x64xf32, #tpu.memory_space<vmem>>
    %dma_start3A_40 = tpu.memref_squeeze %dma_start3A_39 : memref<1x128x64xf32, #tpu.memory_space<vmem>> -> memref<128x64xf32, #tpu.memory_space<vmem>>
    %dma_start3A_41 = arith.constant 0 : i32
    %dma_start3A_42 = tpu.memref_slice %arg4[%add3A_34, %dma_start3A_41] : memref<819200x64xf32, #tpu.memory_space<hbm>> -> memref<128x64xf32, #tpu.memory_space<hbm>>
    %dma_start3A_43 = tpu.memref_slice %arg8[%dma_start3A_36] : memref<2x!tpu.dma_semaphore, #tpu.memory_space<semaphore_mem>> -> memref<1x!tpu.dma_semaphore, #tpu.memory_space<semaphore_mem>>
    %dma_start3A_44 = tpu.memref_squeeze %dma_start3A_43 : memref<1x!tpu.dma_semaphore, #tpu.memory_space<semaphore_mem>> -> memref<!tpu.dma_semaphore, #tpu.memory_space<semaphore_mem>>
    %dma_start3A_45 = arith.constant 0 : i32
    %dma_start3A_46 = tpu.memref_slice %arg4[%add3A_34, %dma_start3A_45] : memref<819200x64xf32, #tpu.memory_space<hbm>> -> memref<128x64xf32, #tpu.memory_space<hbm>>
    %dma_start3A_47 = arith.constant 0 : i32
    %dma_start3A_48 = arith.constant 0 : i32
    %dma_start3A_49 = tpu.memref_slice %arg6[%dma_start3A_35, %dma_start3A_47, %dma_start3A_48] : memref<2x128x128xf32, #tpu.memory_space<vmem>> -> memref<1x128x64xf32, #tpu.memory_space<vmem>>
    %dma_start3A_50 = tpu.memref_squeeze %dma_start3A_49 : memref<1x128x64xf32, #tpu.memory_space<vmem>> -> memref<128x64xf32, #tpu.memory_space<vmem>>
    tpu.enqueue_dma source(%dma_start3A_50 : memref<128x64xf32, #tpu.memory_space<vmem>>) target(%dma_start3A_46 : memref<128x64xf32, #tpu.memory_space<hbm>>) target_semaphore(%dma_start3A_44 : memref<!tpu.dma_semaphore, #tpu.memory_space<semaphore_mem>>)
    %dma_wait3A_51 = arith.constant 0 : i32
    %dma_wait3A_52 = arith.constant 0 : i32
    %dma_wait3A_53 = arith.constant 0 : i32
    %dma_wait3A_54 = arith.constant 0 : i32
    %dma_wait3A_55 = tpu.memref_slice %arg6[%dma_wait3A_51, %dma_wait3A_53, %dma_wait3A_54] : memref<2x128x128xf32, #tpu.memory_space<vmem>> -> memref<1x128x64xf32, #tpu.memory_space<vmem>>
    %dma_wait3A_56 = tpu.memref_squeeze %dma_wait3A_55 : memref<1x128x64xf32, #tpu.memory_space<vmem>> -> memref<128x64xf32, #tpu.memory_space<vmem>>
    %dma_wait3A_57 = arith.constant 0 : i32
    %dma_wait3A_58 = tpu.memref_slice %arg4[%mul3A_2, %dma_wait3A_57] : memref<819200x64xf32, #tpu.memory_space<hbm>> -> memref<128x64xf32, #tpu.memory_space<hbm>>
    %dma_wait3A_59 = tpu.memref_slice %arg8[%dma_wait3A_52] : memref<2x!tpu.dma_semaphore, #tpu.memory_space<semaphore_mem>> -> memref<1x!tpu.dma_semaphore, #tpu.memory_space<semaphore_mem>>
    %dma_wait3A_60 = tpu.memref_squeeze %dma_wait3A_59 : memref<1x!tpu.dma_semaphore, #tpu.memory_space<semaphore_mem>> -> memref<!tpu.dma_semaphore, #tpu.memory_space<semaphore_mem>>
    %dma_wait3A_61 = arith.constant 0 : i32
    %dma_wait3A_62 = tpu.memref_slice %arg4[%mul3A_2, %dma_wait3A_61] : memref<819200x64xf32, #tpu.memory_space<hbm>> -> memref<128x64xf32, #tpu.memory_space<hbm>>
    %dma_wait3A_63 = arith.constant 0 : i32
    %dma_wait3A_64 = arith.constant 0 : i32
    %dma_wait3A_65 = tpu.memref_slice %arg6[%dma_wait3A_51, %dma_wait3A_63, %dma_wait3A_64] : memref<2x128x128xf32, #tpu.memory_space<vmem>> -> memref<1x128x64xf32, #tpu.memory_space<vmem>>
    %dma_wait3A_66 = tpu.memref_squeeze %dma_wait3A_65 : memref<1x128x64xf32, #tpu.memory_space<vmem>> -> memref<128x64xf32, #tpu.memory_space<vmem>>
    tpu.wait_dma2 semaphore(%dma_wait3A_60 : memref<!tpu.dma_semaphore, #tpu.memory_space<semaphore_mem>>) src(%dma_wait3A_66 : memref<128x64xf32, #tpu.memory_space<vmem>>) dst(%dma_wait3A_62 : memref<128x64xf32, #tpu.memory_space<hbm>>)
    return
  }
}

module attributes {stable_mosaic.version = 14 : i64} {
  func.func @_repack_body(%arg0: i32, %arg1: memref<10000x64xf32, #tpu.memory_space<vmem>>, %arg2: memref<5000x128xf32, #tpu.memory_space<vmem>>) attributes {dimension_semantics = [#tpu.dimension_semantics<arbitrary>], iteration_bounds = array<i64: 100>, scalar_prefetch = 0 : i64, scratch_operands = 0 : i64, tpu.core_type = #tpu.core_type<tc>, window_params = [{transform_indices = @transform_0, window_bounds = array<i64: 10000, 64>}, {transform_indices = @transform_1, window_bounds = array<i64: 5000, 128>}]} {
    %get3A = arith.constant 0 : index
    %get3A_0 = arith.constant 0 : index
    %get3A_1 = vector.load %arg1[%get3A, %get3A_0] : memref<10000x64xf32, #tpu.memory_space<vmem>>, vector<10000x64xf32>
    %reshape3A = vector.shape_cast %get3A_1 : vector<10000x64xf32> to vector<5000x2x64xf32>
    %slice3A = vector.extract_strided_slice %reshape3A {offsets = [0, 0, 0], sizes = [5000, 1, 64], strides = [1, 1, 1]} : vector<5000x2x64xf32> to vector<5000x1x64xf32>
    %squeeze3A = vector.shape_cast %slice3A : vector<5000x1x64xf32> to vector<5000x64xf32>
    %swap3A = arith.constant 0 : index
    %swap3A_2 = arith.constant 0 : index
    %swap3A_3 = vector.load %arg2[%swap3A, %swap3A_2] : memref<5000x128xf32, #tpu.memory_space<vmem>>, vector<5000x64xf32>
    tpu.vector_store %arg2[%swap3A, %swap3A_2], %squeeze3A {strides = array<i32>} : memref<5000x128xf32, #tpu.memory_space<vmem>>, vector<5000x64xf32>,
    %slice3A_4 = vector.extract_strided_slice %reshape3A {offsets = [0, 1, 0], sizes = [5000, 1, 64], strides = [1, 1, 1]} : vector<5000x2x64xf32> to vector<5000x1x64xf32>
    %squeeze3A_5 = vector.shape_cast %slice3A_4 : vector<5000x1x64xf32> to vector<5000x64xf32>
    %swap3A_6 = arith.constant 0 : index
    %swap3A_7 = arith.constant 64 : index
    %swap3A_8 = vector.load %arg2[%swap3A_6, %swap3A_7] : memref<5000x128xf32, #tpu.memory_space<vmem>>, vector<5000x64xf32>
    tpu.vector_store %arg2[%swap3A_6, %swap3A_7], %squeeze3A_5 {strides = array<i32>} : memref<5000x128xf32, #tpu.memory_space<vmem>>, vector<5000x64xf32>,
    return
  }
  func.func @transform_0(%arg0: i32) -> (i32, i32) {
    %c0_i32 = arith.constant 0 : i32
    %c0_i32_0 = arith.constant 0 : i32
    return %arg0, %c0_i32 : i32, i32
  }
  func.func @transform_1(%arg0: i32) -> (i32, i32) {
    %c0_i32 = arith.constant 0 : i32
    %c0_i32_0 = arith.constant 0 : i32
    return %arg0, %c0_i32 : i32, i32
  }
}

module attributes {stable_mosaic.version = 14 : i64} {
  func.func @_mask_body(%arg0: i32, %arg1: memref<2048x50xi32, #tpu.memory_space<vmem>>, %arg2: memref<2048x50xi32, #tpu.memory_space<vmem>>) attributes {dimension_semantics = [#tpu.dimension_semantics<arbitrary>], iteration_bounds = array<i64: 8>, scalar_prefetch = 0 : i64, scratch_operands = 0 : i64, tpu.core_type = #tpu.core_type<tc>, window_params = [{transform_indices = @transform_0, window_bounds = array<i64: 2048, 50>}, {transform_indices = @transform_1, window_bounds = array<i64: 2048, 50>}]} {
    %get3A = arith.constant 0 : index
    %get3A_0 = arith.constant 0 : index
    %get3A_1 = vector.load %arg1[%get3A, %get3A_0] : memref<2048x50xi32, #tpu.memory_space<vmem>>, vector<2048x50xi32>
    %ne3A = arith.constant 0 : i32
    %ne3A_2 = vector.broadcast %ne3A : i32 to vector<2048x50xi32>
    %ne3A_3 = arith.cmpi ne, %get3A_1, %ne3A_2 : vector<2048x50xi32>
    %swap3A = arith.constant 0 : index
    %swap3A_4 = arith.constant 0 : index
    %swap3A_5 = vector.load %arg2[%swap3A, %swap3A_4] : memref<2048x50xi32, #tpu.memory_space<vmem>>, vector<2048x50xi32>
    %swap3A_6 = arith.extui %ne3A_3 : vector<2048x50xi1> to vector<2048x50xi32>
    %swap3A_7 = arith.constant dense<0> : vector<2048x50xi32>
    %swap3A_8 = arith.cmpi ne, %swap3A_5, %swap3A_7 : vector<2048x50xi32>
    tpu.vector_store %arg2[%swap3A, %swap3A_4], %swap3A_6 {strides = array<i32>} : memref<2048x50xi32, #tpu.memory_space<vmem>>, vector<2048x50xi32>,
    return
  }
  func.func @transform_0(%arg0: i32) -> (i32, i32) {
    %c0_i32 = arith.constant 0 : i32
    %c0_i32_0 = arith.constant 0 : i32
    return %arg0, %c0_i32 : i32, i32
  }
  func.func @transform_1(%arg0: i32) -> (i32, i32) {
    %c0_i32 = arith.constant 0 : i32
    %c0_i32_0 = arith.constant 0 : i32
    return %arg0, %c0_i32 : i32, i32
  }
}

</mosaic_0001>

<sc_bundles>
// kernel: kernel.5.cloned.1.call-start
scs
__scs_entry_jumppad:
0x0: {  	(pc) =	sbr.rel $0x88, $3  }
0x1: {  	(tag) =	ssettag $0x0;
	lr =	simm.s32 $0x1  }
0x2: {  	[smem:$0x3F9F] =	sst lr;
	_ =	strace $0xD0000000  }
0x3: {  	_ = 	snop  }
0x4: {  	_ = 	snop  }
0x5: {  	_ = 	snop  }
0x6: {  	_ = 	snop  }
0x7: {  	_ = 	snop  }
__scs_overlays_trampoline_lowered:
0x8: {  	[smem:$0x3FAE] =	sst s0  }
0x9: {  	[smem:$0x3FAF] =	sst s1  }
0xa: {  	[smem:$0x3FB0] =	sst s2  }
0xb: {  	[smem:$0x3FB1] =	sst s3  }
0xc: {  	[smem:$0x3FB2] =	sst s4  }
0xd: {  	[smem:$0x3FB3] =	sst s5  }
0xe: {  	[smem:$0x3FB4] =	sst s6  }
0xf: {  	[smem:$0x3FB5] =	sst s7  }
0x10: {  	[smem:$0x3FB6] =	sst s8  }
0x11: {  	[smem:$0x3FB7] =	sst s9;
	s0 =	simm.s32 @!p0 $0x0  }
0x12: {  	s1 =	sld [smem:$0x3F9D];
	s0 =	simm.s32 @p0 $0x1  }
0x13: {  	[smem:$0x3FB8] =	sst s0;
	s0 =	simm.s32 @!p1 $0x0  }
0x14: {  	s2 =	sld [smem:$0x3F9C];
	s0 =	simm.s32 @p1 $0x1  }
0x15: {  	[smem:$0x3FB9] =	sst s0;
	s0 =	simm.s32 @!p2 $0x0  }
0x16: {  	s3 =	sld [smem:$0x3FDB];
	s0 =	simm.s32 @p2 $0x1  }
0x17: {  	s4 =	simm.s32 $0x1BF5;
	[smem:$0x3FBB] =	sst s0  }
0x18: {  	s0 =	sld [smem:$0x3F9E];
	_ =	swait.ge [sflag:s4], $0x0  }
0x19: {  	s7 =	sld [smem:$0x3F9F]  }
0x1a: {  	s8 =	sadd.s32 $0xFFFFE003, lr  }
0x1b: {  	s9 =	sadd.s32 $0xFFFFFEF7, lr;
	s5 =	simm.s32 $0xFFFFFFFF;
	p2 =	slt.u32 s8, $0xFFFFF086  }
0x1c: {  	p1 =	slt.u32 s9, $0xF7A;
	s5 =	simm.s32 @!p2 $0x0  }
0x1d: {  	s5 =	simm.s32 @p1 $0x1;
	p0 =	seq.s32 s7, s2  }
0x1e: {  	s7 =	smul.u32 @!p0 $0xF7A, s2;
	p2 =	seq.s32 @!p0 s5, $0x0  }
0x1f: {  	s9 =	smul.u32 $0xF7A, s1;
	s8 =	simm.s32 @!p0 $0x1BF5;
	p2 =	por !p2, p0  }
0x20: {  	[sflag:s8] =	ssyncset.s32 @!p0 $0xFFFFF086;
	s6 =	sadd.s32 @!p0 s3, s7;
	s7 =	simm.s32 @!p0 $0x108  }
0x21: {  	s3 =	sadd.s32 s3, s9;
	s6 =	sadd.s32 @!p0 $0x88, s6;
	s7 =	simm.s32 @p2 $0x1082  }
0x22: {  	[simem:s7], [sflag:s8] =	dma.local @!p0 [hbm:s6], $0xF7A  }
0x23: {  	s9 =	sor.u32 $0xD0000000, s2;
	s6 =	simm.s32 $0x108;
	_ =	swait.ge @!p0 [sflag:s8], $0x0  }
0x24: {  	s3 =	sadd.s32 $0x88, s3;
	s6 =	simm.s32 @!p1 $0x1082;
	[sflag:s4] =	ssyncset.s32 $0xFFFFF086  }
0x25: {  	[simem:s6], [sflag:s4] =	dma.local [hbm:s3], $0xF7A  }
0x26: {  	[smem:$0x3F9F] =	sst s1;
	(tag) =	ssettag s2;
	_ =	strace s9  }
0x27: {  	s1 =	sld [smem:$0x3FAF]  }
0x28: {  	s2 =	sld [smem:$0x3FB0]  }
0x29: {  	s4 =	sld [smem:$0x3FB2]  }
0x2a: {  	p0 =	seq.s32 s5, $0x0;
	s5 =	sld [smem:$0x3FB3]  }
0x2b: {  	s6 =	sld [smem:$0x3FB4]  }
0x2c: {  	s7 =	sld [smem:$0x3FB5]  }
0x2d: {  	s3 =	simm.s32 $0x108;
	s8 =	sld [smem:$0x3FB6]  }
0x2e: {  	s3 =	simm.s32 @!p0 $0x1082;
	s9 =	sld [smem:$0x3FB7]  }
0x2f: {  	lr =	sadd.s32 s0, s3;
	s0 =	sld [smem:$0x3FAE]  }
0x30: {  	s3 =	sld [smem:$0x3FB1]  }
0x31: {  	[smem:$0x3FBA] =	sst s10  }
0x32: {  	s10 =	sld [smem:$0x3FB8];
	_ =	sdelay $0x3  }
0x33: {  	p0 =	seq.s32 s10, $0x1;
	s10 =	sld [smem:$0x3FBA];
	_ =	sdelay $0x3  }
0x34: {  	[smem:$0x3FBA] =	sst s10  }
0x35: {  	s10 =	sld [smem:$0x3FB9];
	_ =	sdelay $0x3  }
0x36: {  	p1 =	seq.s32 s10, $0x1;
	s10 =	sld [smem:$0x3FBA];
	_ =	sdelay $0x3  }
0x37: {  	[smem:$0x3FBA] =	sst s10  }
0x38: {  	s10 =	sld [smem:$0x3FBB]  }
0x39: {  	_ = 	snop;
	(pc) =	sbr.ind lr, $3  }
0x3a: {  	_ = 	snop  }
0x3b: {  	_ = 	snop  }
0x3c: {  	p2 =	seq.s32 s10, $0x1;
	s10 =	sld [smem:$0x3FBA]  }
0x3d: {  	_ =	shalt  }
0x3e: {  	_ =	shalt  }
0x3f: {  	_ =	shalt  }
0x40: {  	_ =	shalt  }
0x41: {  	_ =	shalt  }
0x42: {  	_ =	shalt  }
0x43: {  	_ =	shalt  }
0x44: {  	_ =	shalt  }
0x45: {  	_ =	shalt  }
0x46: {  	_ =	shalt  }
0x47: {  	_ =	shalt  }
0x48: {  	_ =	shalt  }
0x49: {  	_ =	shalt  }
0x4a: {  	_ =	shalt  }
0x4b: {  	_ =	shalt  }
0x4c: {  	_ =	shalt  }
0x4d: {  	_ =	shalt  }
0x4e: {  	_ =	shalt  }
0x4f: {  	_ =	shalt  }
0x50: {  	_ =	shalt  }
0x51: {  	_ =	shalt  }
0x52: {  	_ =	shalt  }
0x53: {  	_ =	shalt  }
0x54: {  	_ =	shalt  }
0x55: {  	_ =	shalt  }
0x56: {  	_ =	shalt  }
0x57: {  	_ =	shalt  }
0x58: {  	_ =	shalt  }
0x59: {  	_ =	shalt  }
0x5a: {  	_ =	shalt  }
0x5b: {  	_ =	shalt  }
0x5c: {  	_ =	shalt  }
0x5d: {  	_ =	shalt  }
0x5e: {  	_ =	shalt  }
0x5f: {  	_ =	shalt  }
0x60: {  	_ =	shalt  }
0x61: {  	_ =	shalt  }
0x62: {  	_ =	shalt  }
0x63: {  	_ =	shalt  }
0x64: {  	_ =	shalt  }
0x65: {  	_ =	shalt  }
0x66: {  	_ =	shalt  }
0x67: {  	_ =	shalt  }
0x68: {  	_ =	shalt  }
0x69: {  	_ =	shalt  }
0x6a: {  	_ =	shalt  }
0x6b: {  	_ =	shalt  }
0x6c: {  	_ =	shalt  }
0x6d: {  	_ =	shalt  }
0x6e: {  	_ =	shalt  }
0x6f: {  	_ =	shalt  }
0x70: {  	_ =	shalt  }
0x71: {  	_ =	shalt  }
0x72: {  	_ =	shalt  }
0x73: {  	_ =	shalt  }
0x74: {  	_ =	shalt  }
0x75: {  	_ =	shalt  }
0x76: {  	_ =	shalt  }
0x77: {  	_ =	shalt  }
0x78: {  	_ =	shalt  }
0x79: {  	_ =	shalt  }
0x7a: {  	_ =	shalt  }
0x7b: {  	_ =	shalt  }
0x7c: {  	_ =	shalt  }
0x7d: {  	_ =	shalt  }
0x7e: {  	_ =	shalt  }
0x7f: {  	_ =	shalt  }
0x80: {  	_ =	shalt  }
0x81: {  	_ =	shalt  }
0x82: {  	_ =	shalt  }
0x83: {  	_ =	shalt  }
0x84: {  	_ =	shalt  }
0x85: {  	_ =	shalt  }
0x86: {  	_ =	shalt  }
0x87: {  	_ =	shalt  }
.Lfunc_end0:
.L_simem_size_0:
called_computation.1_lowered:
.L_overlay_start_0:
0x88: {  	s2 =	sld [smem:$0x3FD9]  }
0x89: {  	s3 =	sld [smem:$0x3FFE];
	_ =	sdelay $0x1  }
0x8a: {  	s1 =	srdreg.scid  }
0x8b: {  	s0 =	sand.u32 $0x1, s1  }
0x8c: {  	s14 =	sshll.u32 s0, $0xA;
	s2 =	sadd.s32 s3, s2  }
0x8d: {  	s2 =	sadd.s32 s2, s14  }
0x8e: {  	[smem:$0x3FC6] =	sst s2  }
0x8f: {  	_ = 	snop  }
0x90: {  	s2 =	sld [smem:$0x3FD0];
	_ =	sdelay $0x2  }
0x91: {  	s15 =	simm.s32 $0xA;
	s4 =	simm.s32 $0x10  }
0x92: {  	[smem:s4], [sflag:s15] =	dma.local [hbm:s2], $0x1  }
0x93: {  	_ =	swait.eq [sflag:s15], $0x1  }
0x94: {  	[sflag:s15] =	ssyncset.done $0x0  }
0x95: {  	[sflag:s15] =	ssyncadd.s32 $0xFFFFFFFF  }
0x96: {  	s16 =	sld [smem:$0x10];
	(tm) =	ssettm $0x1  }
0x97: {  	s17 =	sld [smem:$0x3FFB];
	_ =	sdelay $0x3  }
0x98: {  	_ =	strace s17  }
0x99: {  	s3 =	sld [smem:$0x3FFC];
	_ =	sdelay $0x3  }
0x9a: {  	_ =	strace s3  }
0x9b: {  	s3 =	sld [smem:$0x3FFD];
	_ =	sdelay $0x3  }
0x9c: {  	_ =	strace s3  }
0x9d: {  	_ =	strace $0x8FFFFFFF  }
0x9e: {  	s18 =	sld [smem:$0x3FDB];
	_ =	sdelay $0x1  }
0x9f: {  	s19 =	simm.s32 $_scs_section_size  }
0xa0: {  	s5 =	simm.s32 $_size__tile_overlayer_lowered;
	s6 =	simm.s32 $_tile_overlayer_lowered  }
0xa1: {  	s22 =	simm.s32 $0x1BFF;
	s21 =	sshll.u32 s6, $0x1;
	s3 =	sadd.s32 s19, s18  }
0xa2: {  	s7 =	simm.s32 $0x0;
	s20 =	sshll.u32 s5, $0x1;
	s5 =	sadd.s32 s21, s3  }
0xa3: {  	[timem:s7], [sflag:s22] =	dma.local [hbm:s5], s20  }
0xa4: {  	_ =	swait.ge [sflag:s22], s20  }
0xa5: {  	s4 =	ssub.s32 $0x0, s20;
	[sflag:s22] =	ssyncset.done $0x0  }
0xa6: {  	[sflag:s22] =	ssyncadd.s32 s4;
	_ =	sdelay $0x1  }
0xa7: {  	s23 =	simm.s32 $0x1B8B  }
0xa8: {  	_ =	swait.ge [sflag:s23], $0x1  }
0xa9: {  	[sflag:s23] =	ssyncset.done $0x0  }
0xaa: {  	s25 =	simm.s32 $0x1B8E;
	s24 =	sld [smem:$0x3FFE];
	[sflag:s23] =	ssyncadd.s32 $0xFFFFFFFF  }
0xab: {  	s26 =	simm.s32 $execute0_lowered;
	[smem:$0x3FD2] =	sst s25  }
0xac: {  	s5 =	sshll.u32 s26, $0x1;
	_ =	strace $0x80000046;
	[dreg:$0x1] =	wrdreg $0xFFFFFFFF  }
0xad: {  	s28 =	simm.s32 $_size_execute0_lowered;
	s3 =	sadd.s32 s3, s5;
	[dreg:$0x0] =	wrdreg $0x0  }
0xae: {  	s5 =	sshll.u32 s28, $0x1;
	[dreg:$0x2] =	wrdreg s3  }
0xaf: {  	[dreg:$0x3] =	wrdreg s5  }
0xb0: {  	[dreg:$0x4] =	wrdreg $0xC0  }
0xb1: {  	_ =	task [dreg:s7], $0x5FFFF  }
0xb2: {  	[dreg:$0x1] =	wrdreg $0xFFFFFFFF  }
0xb3: {  	[dreg:$0x0] =	wrdreg $0x60  }
0xb4: {  	[dreg:$0x2] =	wrdreg s24  }
0xb5: {  	[dreg:$0x3] =	wrdreg s16  }
0xb6: {  	[dreg:$0x4] =	wrdreg $0x9  }
0xb7: {  	_ =	task.clear_ibuf [dreg:s7], $0x5FFFF;
	_ =	strace $0x90000046  }
0xb8: {  	s29 =	simm.s32 $0x9;
	_ =	strace $0x80000048  }
0xb9: {  	_ =	swait.ge [sflag:s29], $0x1  }
0xba: {  	[sflag:s29] =	ssyncadd.s32 $0xFFFFFFFF  }
0xbb: {  	_ =	strace $0x90000048  }
0xbc: {  	_ =	sfence  }
0xbd: {  	s30 =	sld [smem:$0x0];
	_ =	sdelay $0x2  }
0xbe: {  	s31 =	sshll.u32 s1, $0xD;
	s1 =	sshrl.u32 s1, $0x2  }
0xbf: {  	s3 =	sand.u32 $0x4000, s31;
	s1 =	sadd.s32 s1, s30  }
0xc0: {  	s0 =	sor.u32 s3, s0;
	s1 =	sshll.u32 s1, $0x11  }
0xc1: {  	s0 =	sor.u32 s1, s0  }
0xc2: {  	s0 =	sadd.s32 $0x8F2B, s0  }
0xc3: {  	[sflag:s0] =	ssyncadd.remote.s32 $0x1  }
0xc4: {  	_ =	sfence.sel $0xFFFF  }
0xc5: {  	[dreg:$0x0] =	wrdreg $0xFFFFFFFF;
	(pc) =	sbr.abs _section_cstart, $3  }
0xc6: {  	[dreg:$0x1] =	wrdreg $0xFFFFFFFF  }
0xc7: {  	_ =	task.clear_ibuf [dreg:s7], $0x2FFFF;
	_ =	strace $0x9FFFFFFF  }
0xc8: {  	(tm) =	ssettm $0x7FFFFFFF  }
0xc9: {  	_ =	shalt  }
tec
execute0_lowered:
.L_overlay_start_1:
0x0: {  	(tag) =	ssettag $0x1  }
0x1: {  	s3 =	rddreg [dreg:$0x0];
	s1 =	srdreg.scid  }
0x2: {  	s0 =	stileid.u32;
	s5 =	rddreg [dreg:$0x1];
	s2 =	simm.s32 $0x0  }
0x3: {  	s9 =	simm.s32 $0x1;
	s4 =	sand.u32 $0x1, s1;
	s6 =	sshll.u32 s0, $0x1  }
0x4: {  	s10 =	simm.s32 $0x3;
	s11 =	simm.s32 $0x0;
	s6 =	sor.u32 s4, s6  }
0x5: {  	s1 =	rddreg [dreg:$0x2];
	s4 =	ssub.s32 $0x2, s4;
	s7 =	smul.u32 $0xC80, s6  }
0x6: {  	[smem:$0x7FF] =	sst s2;
	s6 =	smul.u32 $0x32000, s6;
	s8 =	sshrl.u32 s4, $0x1  }
0x7: {  	_ =	strace $0x80000047;
	s8 =	ssub.s32 s4, s8;
	s7 =	sadd.s32 s7, s3  }
0x8: {  	s3 =	sadd.s32 $0xF9C000, s3;
	s5 =	sadd.s32 s5, s6;
	s6 =	smax.u32 s8, $0x1  }
0x9: {  	s8 =	simm.s32 $0x80;
	s4 =	sadd.s32 $0x40C00, s7;
	s7 =	simm.s32 $0x5  }
.LBB2_1:
0xa: {  	[tilespmem:s2], [sflag:$0x5] =	stream.linear.gather [hbm4b:s4+s2], $0x6400, $0x38;
	[tilespmem:$0xE400] =	vst v63  }
0xb: {  	_ =	swait.ge [sflag:s7], $0x6400  }
0xc: {  	[sflag:s7] =	ssyncset.done $0x0  }
0xd: {  	s12 =	simm.s32 $0x6400;
	[sflag:s7] =	ssyncadd.s32 $0xFFFF9C00  }
0xe: {  	[tilespmem:s12], [sflag:$0x1] =	stream.indirect.gather [hbm4b:s3+s8], $0x80, s2, s8, $0xb8;
	[tilespmem:$0xE400] =	vst v63  }
0xf: {  	_ =	swait.ge [sflag:s9], $0x4000  }
0x10: {  	s13 =	simm.s32 $0x8;
	[sflag:s9] =	ssyncset.done $0x0  }
0x11: {  	s15 =	sadd.s32 $0x0, s5;
	s14 =	simm.s32 $0x6480;
	[sflag:s9] =	ssyncadd.s32 $0xFFFFC000  }
.LBB2_2:
0x12: {  	[hbm4b:s15+s2] =	stream.linear.scatter [tilespmem:s12], [sflag:$0x3], $0x40, $0x38;
	[tilespmem:$0xE400] =	vst v63  }
0x13: {  	s15 =	smov.u32 s13;
	s12 =	smov.u32 s14;
	p0 =	sne.s32 s13, $0x3F8  }
.Ltmp0:
0x14: {  	s13 =	sadd.s32 $0x8, s13;
	(pc) =	sbr.rel @p0 .LBB2_2-.Ltmp0, $2  }
0x15: {  	_ =	sdelay $0x2  }
0x16: {  	s14 =	sadd.s32 $0x80, s14;
	s15 =	sadd.s32 s15, s5  }
0x17: {  	s11 =	sadd.s32 $0x1, s11  }
0x18: {  	p0 =	sne.s32 s11, s6  }
.Ltmp1:
0x19: {  	_ = 	snop;
	(pc) =	sbr.rel @p0 .LBB2_1-.Ltmp1, $4  }
0x1a: {  	[hbm4b:s15+s2] =	stream.linear.scatter [tilespmem:s12], [sflag:$0x3], $0x40, $0x38;
	[tilespmem:$0xE400] =	vst v63  }
0x1b: {  	_ =	swait.ge [sflag:s10], $0x2000  }
0x1c: {  	[sflag:s10] =	ssyncset.done $0x0  }
0x1d: {  	[sflag:s10] =	ssyncadd.s32 $0xFFFFE000  }
0x1e: {  	_ =	sfence.sel $0x180000  }
0x1f: {  	[bflag:$0x0] =	sbarrier.arrive $0xFFFF  }
0x20: {  	p0 =	sne.s32 s0, $0x0;
	_ =	strace $0x90000047  }
0x21: {  	s0 =	sadd.s32 @!p0 $0x100000, s1;
	[bflag:$0x2] =	sbarrier.arrive $0xFFFF  }
0x22: {  	[sflag:s0] =	ssyncadd.tile.s32 @!p0 $0x1;
	_ =	shalt  }
.Lfunc_end2:
_tile_overlayer_lowered:
.L_overlay_start_2:
0x23: {  	(tag) =	ssettag $0x2  }
0x24: {  	s0 =	rddreg [dreg:$0x0];
	s2 =	stileid.u32  }
0x25: {  	s1 =	rddreg [dreg:$0x1];
	p0 =	sne.s32 s2, $0x0  }
0x26: {  	s3 =	rddreg [dreg:$0x2];
	[bflag:$0x3] =	sbarrier.arrive $0xFFFF;
	s2 =	simm.s32 @!p0 $0x1C05  }
0x27: {  	[timem:s3], [sflag:s2] =	dma.local @!p0 [hbm:s0], s1  }
0x28: {  	s0 =	simm.s32 @!p0 $0x5  }
0x29: {  	_ =	swait.ge @!p0 [sflag:s0], s1  }
0x2a: {  	s1 =	ssub.s32 @!p0 $0x0, s1;
	[sflag:s0] =	ssyncset.done @!p0 $0x0  }
0x2b: {  	[sflag:s0] =	ssyncadd.s32 @!p0 s1  }
0x2c: {  	[bflag:$0x3] =	sbarrier.arrive $0xFFFF  }
0x2d: {  	_ =	shalt  }

// kernel: sparse-core-data-format-call.cloned.1.call-start
scs
called_computation_lowered:
.L_overlay_start_0:
0x0: {  	s2 =	sld [smem:$0x3FD9]  }
0x1: {  	s3 =	sld [smem:$0x3FFE];
	_ =	sdelay $0x1  }
0x2: {  	s1 =	srdreg.scid  }
0x3: {  	s0 =	sand.u32 $0x1, s1  }
0x4: {  	s15 =	sshll.u32 s0, $0xA;
	s2 =	sadd.s32 s3, s2  }
0x5: {  	s2 =	sadd.s32 s2, s15  }
0x6: {  	[smem:$0x3FC6] =	sst s2  }
0x7: {  	_ = 	snop  }
0x8: {  	s2 =	sld [smem:$0x3FD0];
	_ =	sdelay $0x2  }
0x9: {  	s16 =	simm.s32 $0xA;
	s4 =	simm.s32 $0x10  }
0xa: {  	[smem:s4], [sflag:s16] =	dma.local [hbm:s2], $0x1  }
0xb: {  	_ =	swait.eq [sflag:s16], $0x1  }
0xc: {  	[sflag:s16] =	ssyncset.done $0x0  }
0xd: {  	[sflag:s16] =	ssyncadd.s32 $0xFFFFFFFF  }
0xe: {  	s17 =	sld [smem:$0x10];
	(tm) =	ssettm $0x1  }
0xf: {  	s18 =	sld [smem:$0x3FFB];
	_ =	sdelay $0x3  }
0x10: {  	_ =	strace s18  }
0x11: {  	s3 =	sld [smem:$0x3FFC];
	_ =	sdelay $0x3  }
0x12: {  	_ =	strace s3  }
0x13: {  	s3 =	sld [smem:$0x3FFD];
	_ =	sdelay $0x3  }
0x14: {  	_ =	strace s3  }
0x15: {  	_ =	strace $0x8FFFFFFF  }
0x16: {  	s19 =	sld [smem:$0x3FDB];
	_ =	sdelay $0x1  }
0x17: {  	s20 =	simm.s32 $_scs_section_size  }
0x18: {  	s5 =	simm.s32 $_size__tile_overlayer_lowered;
	s6 =	simm.s32 $_tile_overlayer_lowered  }
0x19: {  	s23 =	simm.s32 $0x1BFF;
	s22 =	sshll.u32 s6, $0x1;
	s3 =	sadd.s32 s20, s19  }
0x1a: {  	s7 =	simm.s32 $0x0;
	s21 =	sshll.u32 s5, $0x1;
	s5 =	sadd.s32 s22, s3  }
0x1b: {  	[timem:s7], [sflag:s23] =	dma.local [hbm:s5], s21  }
0x1c: {  	_ =	swait.ge [sflag:s23], s21  }
0x1d: {  	s4 =	ssub.s32 $0x0, s21;
	[sflag:s23] =	ssyncset.done $0x0  }
0x1e: {  	[sflag:s23] =	ssyncadd.s32 s4;
	_ =	sdelay $0x1  }
0x1f: {  	s24 =	simm.s32 $0x1B8B  }
0x20: {  	_ =	swait.ge [sflag:s24], $0x1  }
0x21: {  	[sflag:s24] =	ssyncset.done $0x0  }
0x22: {  	s26 =	simm.s32 $0x1B8E;
	s25 =	sld [smem:$0x3FFE];
	[sflag:s24] =	ssyncadd.s32 $0xFFFFFFFF  }
0x23: {  	s27 =	simm.s32 $execute0_lowered;
	[smem:$0x3FD2] =	sst s26  }
0x24: {  	s5 =	sshll.u32 s27, $0x1;
	_ =	strace $0x80000049;
	[dreg:$0x1] =	wrdreg $0xFFFFFFFF  }
0x25: {  	s28 =	simm.s32 $_size_execute0_lowered;
	s3 =	sadd.s32 s3, s5;
	[dreg:$0x0] =	wrdreg $0x0  }
0x26: {  	s5 =	sshll.u32 s28, $0x1;
	[dreg:$0x2] =	wrdreg s3  }
0x27: {  	[dreg:$0x3] =	wrdreg s5  }
0x28: {  	[dreg:$0x4] =	wrdreg $0xC0  }
0x29: {  	_ =	task [dreg:s7], $0x5FFFF  }
0x2a: {  	[dreg:$0x1] =	wrdreg $0xFFFFFFFF  }
0x2b: {  	[dreg:$0x0] =	wrdreg $0x60  }
0x2c: {  	[dreg:$0x2] =	wrdreg s25  }
0x2d: {  	[dreg:$0x3] =	wrdreg s17  }
0x2e: {  	[dreg:$0x4] =	wrdreg $0x9  }
0x2f: {  	_ =	task.clear_ibuf [dreg:s7], $0x5FFFF;
	_ =	strace $0x90000049  }
0x30: {  	s29 =	simm.s32 $0x9;
	_ =	strace $0x8000004B  }
0x31: {  	_ =	swait.ge [sflag:s29], $0x1  }
0x32: {  	[sflag:s29] =	ssyncadd.s32 $0xFFFFFFFF  }
0x33: {  	_ =	strace $0x9000004B  }
0x34: {  	_ =	sfence  }
0x35: {  	s30 =	sld [smem:$0x0];
	_ =	sdelay $0x2  }
0x36: {  	s31 =	sshll.u32 s1, $0xD;
	s1 =	sshrl.u32 s1, $0x2  }
0x37: {  	s3 =	sand.u32 $0x4000, s31;
	s1 =	sadd.s32 s1, s30  }
0x38: {  	s0 =	sor.u32 s3, s0;
	s1 =	sshll.u32 s1, $0x11  }
0x39: {  	s0 =	sor.u32 s1, s0  }
0x3a: {  	s0 =	sadd.s32 $0x8F2B, s0  }
0x3b: {  	[sflag:s0] =	ssyncadd.remote.s32 $0x1  }
0x3c: {  	_ =	sfence.sel $0xFFFF  }
0x3d: {  	[dreg:$0x0] =	wrdreg $0xFFFFFFFF;
	(pc) =	sbr.abs _section_cstart, $3  }
0x3e: {  	[dreg:$0x1] =	wrdreg $0xFFFFFFFF  }
0x3f: {  	_ =	task.clear_ibuf [dreg:s7], $0x2FFFF;
	_ =	strace $0x9FFFFFFF  }
0x40: {  	(tm) =	ssettm $0x7FFFFFFF  }
0x41: {  	_ =	shalt  }
tec
execute0_lowered:
.L_overlay_start_1:
0x0: {  	(tag) =	ssettag $0x1  }
0x1: {  	s0 =	srdreg.scid  }
0x2: {  	s1 =	sshll.u32 s0, $0x4  }
0x3: {  	s0 =	stileid.u32;
	s1 =	sand.u32 $0x10, s1  }
0x4: {  	s1 =	sor.u32 s0, s1  }
0x5: {  	s6 =	rddreg [dreg:$0x0];
	s4 =	simm.s32 $0x1;
	s2 =	sshll.u32 s1, $0x7  }
0x6: {  	s7 =	simm.s32 $0x2;
	s12 =	simm.s32 $0x0;
	s1 =	ssub.s32 $0x4000, s2  }
0x7: {  	s8 =	simm.s32 $0x20000;
	s13 =	simm.s32 $0x0;
	s3 =	sand.u32 $0xF80, s1  }
0x8: {  	s9 =	simm.s32 $0x0;
	s5 =	sshrl.u32 s1, $0xC;
	p0 =	sne.s32 s3, $0x0  }
.Ltmp0:
0x9: {  	s1 =	rddreg [dreg:$0x2];
	s4 =	simm.s32 @!p0 $0x0;
	(pc) =	sbr.rel .LBB1_1-.Ltmp0, $4  }
0xa: {  	s11 =	simm.s32 $0x0;
	s3 =	rddreg [dreg:$0x1];
	s5 =	sadd.s32 s4, s5  }
0xb: {  	_ =	strace $0x8000004A;
	s4 =	simm.s32 $0x1;
	s5 =	smul.u32 $0x32, s5  }
0xc: {  	s6 =	sadd.s32 $0x40C00, s6;
	s10 =	smov.u32 s2;
	[sflag:s4] =	ssyncpa.u1 $0x0  }
0xd: {  	p0 =	por $0x0, $0x0;
	[sflag:s7] =	ssyncpa.u1 $0x0;
	s7 =	sor.u32 $0x1, s5  }
.LBB1_4:
0xe: {  	s16 =	sshll.u32 s13, $0x3;
	s17 =	sand.u32 $0x78, s13  }
0xf: {  	s30 =	sand.u32 $0x1F800, s13;
	s12 =	sshll.u32 s12, $0x11;
	s16 =	sand.u32 $0x3C00, s16  }
0x10: {  	[tilespmem:s15+$0x810 ss:$0x81] =	vst.msk $0xffff, v2;
	s31 =	sand.u32 $0x7, s13;
	s16 =	sor.u32 s17, s16;
	s17 =	sadd.s32 s3, s30  }
0x11: {  	[tilespmem:s15+$0x1020 ss:$0x81] =	vst.msk $0xffff, v0;
	s13 =	sshll.u32 s31, $0x12;
	s12 =	sadd.s32 s12, s17;
	s16 =	sshrl.u32 s16, $0x3  }
0x12: {  	[tilespmem:s15+$0x0 ss:$0x81] =	vst.msk $0xffff, v1;
	s13 =	sor.u32 $0x400, s13;
	s12 =	sadd.s32 s16, s12  }
0x13: {  	[hbm4b:s12+s13] =	stream.strided.scatter [tilespmem:s14], [sflag:$0x2], $0x2000, s8, s13, $0x20;
	[tilespmem:$0x8080] =	vst v63  }
.LBB1_5:
0x14: {  	s14 =	sadd.s32 $0x1, s9  }
0x15: {  	s12 =	sadd.s32 $0x1000, s10;
	s16 =	smov.u32 s10;
	p2 =	sgt.s32 s14, $0x31  }
0x16: {  	s16 =	smov.u32 @p2 s12  }
0x17: {  	s14 =	simm.s32 @p2 $0x0;
	p2 =	sgt.s32 s16, $0x3FFF  }
0x18: {  	s16 =	smov.u32 @p2 s2;
	p2 =	sne.s32 s11, s7  }
.Ltmp1:
0x19: {  	p1 =	slt.u32 s11, $0x2;
	(pc) =	sbr.rel @!p2 .LBB1_6-.Ltmp1, $4  }
0x1a: {  	s15 =	simm.s32 @!p1 $0x2  }
0x1b: {  	s13 =	smov.u32 s10;
	p0 =	por !p0, !p0;
	_ =	swait.ge @!p1 [sflag:s15], $0x2000  }
0x1c: {  	s12 =	smov.u32 s9;
	[sflag:s15] =	ssyncset.done @!p1 $0x0;
	s9 =	smov.u32 s14  }
0x1d: {  	s11 =	sadd.s32 $0x1, s11;
	[sflag:s15] =	ssyncadd.s32 @!p1 $0xFFFFE000;
	s10 =	smov.u32 s16  }
.LBB1_1:
0x1e: {  	p1 =	sge.u32 s11, s5  }
0x1f: {  	s14 =	sand.u32 @!p1 $0x1FFFFFF, s9  }
0x20: {  	s15 =	smulhi.u32 @!p1 $0x4924925, s14;
	_ =	sdelay $0x1  }
0x21: {  	s15 =	smul.u32 @!p1 $0x38, s15  }
0x22: {  	s16 =	sxor.u32 @!p1 $0xFFFFFFFF, s11;
	s17 =	smul.u32 @!p1 $0x380, s10  }
0x23: {  	s31 =	sadd.s32 $0xFFFFFFFF, s11;
	s16 =	sshll.u32 @!p1 s16, $0xD;
	s14 =	ssub.s32 @!p1 s14, s15  }
0x24: {  	s15 =	sand.u32 @!p1 $0x2000, s16;
	s16 =	sadd.s32 @!p1 s6, s17;
	s14 =	sshll.u32 @!p1 s14, $0x4  }
0x25: {  	s17 =	simm.s32 @!p1 $0x1C00;
	s14 =	sadd.s32 @!p1 s14, s16;
	s16 =	simm.s32 @!p1 $0x40  }
0x26: {  	[tilespmem:s15], [sflag:$0x1] =	stream.strided.gather @!p1 [hbm4b:s14+s16], $0x2000, s17, s16, $0x38;
	[tilespmem:$0x8080] =	vst v63  }
0x27: {  	p1 =	sge.u32 s31, s5  }
.Ltmp2:
0x28: {  	_ = 	snop;
	(pc) =	sbr.rel @p1 .LBB1_5-.Ltmp2, $1  }
0x29: {  	_ =	sdelay $0x3  }
0x2a: {  	s14 =	simm.s32 $0x1  }
0x2b: {  	_ =	swait.ge [sflag:s4], $0x2000;
	s14 =	simm.s32 @!p0 $0x0  }
0x2c: {  	[sflag:s4] =	ssyncset.done $0x0;
	s15 =	sshll.u32 s14, $0xD  }
0x2d: {  	[sflag:s4] =	ssyncadd.s32 $0xFFFFE000;
	s18 =	sor.u32 $0x20, s15  }
0x2e: {  	s14 =	smul.u32 $0x8100, s14;
	v3 =	vld [tilespmem:s18+$0x10]  }
0x2f: {  	s30 =	sand.u32 $0x1, s11;
	v2 =	vld [tilespmem:s18+$0xFFFFFFF0]  }
0x30: {  	s15 =	smul.u32 $0x8100, s30;
	s14 =	sshrl.u32 s14, $0x2;
	v0 =	vld [tilespmem:s18+$0x0]  }
0x31: {  	v1 =	vld [tilespmem:s18+$0xFFFFFFE0];
	s16 =	sor.u32 $0x4000, s14  }
0x32: {  	s31 =	sshrl.u32 s15, $0x2;
	s15 =	sadd.s32 $0x0, s16  }
0x33: {  	s17 =	simm.s32 $0x4;
	s18 =	sadd.s32 $0x40, s18;
	s14 =	sor.u32 $0x4000, s31;
	[tilespmem:s15+$0x1830 ss:$0x81] =	vst.msk $0xffff, v3  }
.LBB1_3:
0x34: {  	v3 =	vld [tilespmem:s18+$0x10];
	p1 =	sne.s32 s17, $0x1FC;
	[tilespmem:s15+$0x810 ss:$0x81] =	vst.msk $0xffff, v2;
	s19 =	smov.u32 s17;
	s17 =	sadd.s32 $0x4, s17  }
.Ltmp3:
0x35: {  	v2 =	vld [tilespmem:s18+$0xFFFFFFF0];
	[tilespmem:s15+$0x1020 ss:$0x81] =	vst.msk $0xffff, v0;
	(pc) =	sbr.rel @p1 .LBB1_3-.Ltmp3, $4  }
0x36: {  	v0 =	vld [tilespmem:s18+$0x0];
	[tilespmem:s15+$0x0 ss:$0x81] =	vst.msk $0xffff, v1  }
0x37: {  	s15 =	sshra.s32 s19, $0x2;
	v1 =	vld [tilespmem:s18+$0xFFFFFFE0]  }
0x38: {  	s15 =	sadd.s32 s15, s16  }
0x39: {  	s18 =	sadd.s32 $0x40, s18;
	[tilespmem:s15+$0x1830 ss:$0x81] =	vst.msk $0xffff, v3  }
.Ltmp4:
0x3a: {  	_ = 	snop;
	(pc) =	sbr.rel .LBB1_4-.Ltmp4, $1  }
0x3b: {  	_ =	sdelay $0x3  }
.LBB1_6:
0x3c: {  	_ =	sfence.sel $0x180000  }
0x3d: {  	s2 =	simm.s32 $0x1;
	[bflag:$0x0] =	sbarrier.arrive $0xFFFF  }
0x3e: {  	s31 =	simm.s32 $0x2;
	[sflag:s2] =	ssyncpa.u1 $0x1  }
0x3f: {  	[sflag:s31] =	ssyncpa.u1 $0x1  }
0x40: {  	p0 =	sne.s32 s0, $0x0;
	_ =	strace $0x9000004A  }
0x41: {  	s0 =	sadd.s32 @!p0 $0x100000, s1;
	[bflag:$0x2] =	sbarrier.arrive $0xFFFF  }
0x42: {  	[sflag:s0] =	ssyncadd.tile.s32 @!p0 $0x1;
	_ =	shalt  }
.Lfunc_end1:
_tile_overlayer_lowered:
.L_overlay_start_2:
0x43: {  	(tag) =	ssettag $0x2  }
0x44: {  	s0 =	rddreg [dreg:$0x0];
	s2 =	stileid.u32  }
0x45: {  	s1 =	rddreg [dreg:$0x1];
	p0 =	sne.s32 s2, $0x0  }
0x46: {  	s3 =	rddreg [dreg:$0x2];
	[bflag:$0x3] =	sbarrier.arrive $0xFFFF;
	s2 =	simm.s32 @!p0 $0x1C01  }
0x47: {  	[timem:s3], [sflag:s2] =	dma.local @!p0 [hbm:s0], s1  }
0x48: {  	s0 =	simm.s32 @!p0 $0x1  }
0x49: {  	_ =	swait.ge @!p0 [sflag:s0], s1  }
0x4a: {  	s1 =	ssub.s32 @!p0 $0x0, s1;
	[sflag:s0] =	ssyncset.done @!p0 $0x0  }
0x4b: {  	[sflag:s0] =	ssyncadd.s32 @!p0 s1  }
0x4c: {  	[bflag:$0x3] =	sbarrier.arrive $0xFFFF  }
0x4d: {  	_ =	shalt  }

</sc_bundles>
